<compile_context>
chip_gen: v7x
topology: tpu7x:2x2x1
jax: 0.10.2.dev20260603
libtpu: 0.0.44.dev20260713+nightly
codegen_flags: <defaults>
</compile_context>

<pallas_src>
import jax
import jax.numpy as jnp
from jax.experimental import pallas as pl

_B = 64
_C = 3
_HW = 512
_G = 51
_P = _G * _G
_K = _C * 100
_HID = 16
_NOBJ = 5
_D1 = 256
_D2 = 128
_EPS = 1e-5


def _conv_stage(p_ref, w1_ref, b1_ref, h_ref, ssum_ref, ssq_ref):
    b = pl.program_id(0)
    yt = jax.lax.dot_general(
        w1_ref[...], p_ref[0], (((0,), (1,)), ((), ())),
        preferred_element_type=jnp.float32)
    yt = yt + b1_ref[...]
    h_ref[...] = yt[None]

    @pl.when(b == 0)
    def _():
        ssum_ref[...] = jnp.zeros_like(ssum_ref)
        ssq_ref[...] = jnp.zeros_like(ssq_ref)

    ssum_ref[...] += jnp.sum(yt, axis=1, keepdims=True)
    ssq_ref[...] += jnp.sum(yt * yt, axis=1, keepdims=True)


def _mlp_stage(h_ref, scale_ref, shift_ref, w2_ref, b2_ref,
               fc1w_ref, fc1b_ref, fc2w_ref, fc2b_ref, lng_ref, lnb_ref,
               fc3w_ref, fc3b_ref, out_ref):
    h = h_ref[...]
    a = jnp.maximum(h * scale_ref[...][None] + shift_ref[...][None], 0.0)
    gt = jax.lax.dot_general(
        w2_ref[...], a, (((1,), (1,)), ((), ())),
        preferred_element_type=jnp.float32)
    gt = jax.nn.sigmoid(gt + b2_ref[...])
    g2 = gt.reshape(_NOBJ * _B, _P)
    z1 = jax.lax.dot_general(
        g2, fc1w_ref[...], (((1,), (0,)), ((), ())),
        preferred_element_type=jnp.float32)
    z1 = jnp.maximum(z1 + fc1b_ref[...], 0.0)
    z2 = jax.lax.dot_general(
        z1, fc2w_ref[...], (((1,), (0,)), ((), ())),
        preferred_element_type=jnp.float32)
    z2 = z2 + fc2b_ref[...]
    mu = jnp.mean(z2, axis=1, keepdims=True)
    var = jnp.mean(z2 * z2, axis=1, keepdims=True) - mu * mu
    z2 = (z2 - mu) * jax.lax.rsqrt(var + _EPS) * lng_ref[...] + lnb_ref[...]
    z2 = jnp.maximum(z2, 0.0)
    z3 = jax.lax.dot_general(
        z2, fc3w_ref[...], (((1,), (0,)), ((), ())),
        preferred_element_type=jnp.float32)
    out_ref[...] = z3 + fc3b_ref[...]


def kernel(obs, cnn1_w, cnn1_b, bn_g, bn_b, cnn2_w, cnn2_b,
           fc1_w, fc1_b, fc2_w, fc2_b, ln_g, ln_b, fc3_w, fc3_b):
    f32 = jnp.float32
    bf16 = jnp.bfloat16
    patches = (obs[:, :, :510, :510]
               .reshape(_B, _C, _G, 10, _G, 10)
               .transpose(0, 2, 4, 1, 3, 5)
               .reshape(_B, _P, _K)
               .astype(bf16))
    w1r = cnn1_w.transpose(1, 2, 3, 0).reshape(_K, _HID).astype(bf16)
    b1r = cnn1_b.reshape(_HID, 1)

    h, ssum, ssq = pl.pallas_call(
        _conv_stage,
        grid=(_B,),
        in_specs=[
            pl.BlockSpec((1, _P, _K), lambda b: (b, 0, 0)),
            pl.BlockSpec((_K, _HID), lambda b: (0, 0)),
            pl.BlockSpec((_HID, 1), lambda b: (0, 0)),
        ],
        out_specs=[
            pl.BlockSpec((1, _HID, _P), lambda b: (b, 0, 0)),
            pl.BlockSpec((_HID, 1), lambda b: (0, 0)),
            pl.BlockSpec((_HID, 1), lambda b: (0, 0)),
        ],
        out_shape=[
            jax.ShapeDtypeStruct((_B, _HID, _P), f32),
            jax.ShapeDtypeStruct((_HID, 1), f32),
            jax.ShapeDtypeStruct((_HID, 1), f32),
        ],
    )(patches, w1r, b1r)

    n = float(_B * _P)
    mean = ssum / n
    var = ssq / n - mean * mean
    scale = bn_g.reshape(_HID, 1) / jnp.sqrt(var + _EPS)
    shift = bn_b.reshape(_HID, 1) - mean * scale

    z3 = pl.pallas_call(
        _mlp_stage,
        out_shape=jax.ShapeDtypeStruct((_NOBJ * _B, _D2), f32),
    )(h, scale, shift,
      cnn2_w.reshape(_NOBJ, _HID), cnn2_b.reshape(_NOBJ, 1, 1),
      fc1_w.T, fc1_b.reshape(1, _D1),
      fc2_w.T, fc2_b.reshape(1, _D1),
      ln_g.reshape(1, _D1), ln_b.reshape(1, _D1),
      fc3_w.T, fc3_b.reshape(1, _D2))

    return z3.reshape(_NOBJ, _B, _D2).transpose(1, 0, 2)

# --- scband reference (transcript-rebuilt; emitter-appended) ---
"""Pipeline reference for scband-contrastive-swm-60138132078979 (READ-ONLY COPY).

The authoritative reference and input builder live on the scoring server;
editing this copy changes nothing except your own understanding.
"""

import jax, jax.numpy as jnp
import numpy as np


def _conv(x, w, b, stride):
    y = jax.lax.conv_general_dilated(x, w, window_strides=(stride, stride), padding='VALID', dimension_numbers=('NCHW', 'OIHW', 'NCHW'))
    return y + b[None, :, None, None]


def _bn_train(x, gamma, beta, eps=1e-5):
    # torch BatchNorm2d in default train mode: batch statistics, biased variance
    mean = jnp.mean(x, axis=(0, 2, 3), keepdims=True)
    var = jnp.var(x, axis=(0, 2, 3), keepdims=True)
    xn = (x - mean) / jnp.sqrt(var + eps)
    return xn * gamma[None, :, None, None] + beta[None, :, None, None]


def _ln(x, gamma, beta, eps=1e-5):
    mean = jnp.mean(x, axis=-1, keepdims=True)
    var = jnp.var(x, axis=-1, keepdims=True)
    return (x - mean) / jnp.sqrt(var + eps) * gamma + beta


def setup_inputs(seed: int = 0):
    key = jax.random.key(seed)
    ks = jax.random.split(key, 12)
    B, C, H, W = 64, 3, 512, 512
    hid_cnn = 16  # hidden_dim // 16
    num_objects = 5
    grid = H // 10  # 51 (EncoderCNNSmall: 10x10 conv, stride 10)
    mlp_in = grid * grid  # 2601
    hidden_dim = 256
    embedding_dim = 128

    def u(k, shape, fan_in):
        bound = 1.0 / np.sqrt(fan_in)
        return jax.random.uniform(k, shape, minval=-bound, maxval=bound, dtype=jnp.float32)

    inp = {}
    inp['obs'] = jax.random.uniform(ks[0], (B, C, H, W), dtype=jnp.float32)
    inp['cnn1_w'] = u(ks[1], (hid_cnn, C, 10, 10), C * 100)
    inp['cnn1_b'] = u(ks[2], (hid_cnn,), C * 100)
    inp['bn_g'] = jnp.ones((hid_cnn,), jnp.float32)
    inp['bn_b'] = jnp.zeros((hid_cnn,), jnp.float32)
    inp['cnn2_w'] = u(ks[3], (num_objects, hid_cnn, 1, 1), hid_cnn)
    inp['cnn2_b'] = u(ks[4], (num_objects,), hid_cnn)
    inp['fc1_w'] = u(ks[5], (hidden_dim, mlp_in), mlp_in)
    inp['fc1_b'] = u(ks[6], (hidden_dim,), mlp_in)
    inp['fc2_w'] = u(ks[7], (hidden_dim, hidden_dim), hidden_dim)
    inp['fc2_b'] = u(ks[8], (hidden_dim,), hidden_dim)
    inp['ln_g'] = jnp.ones((hidden_dim,), jnp.float32)
    inp['ln_b'] = jnp.zeros((hidden_dim,), jnp.float32)
    inp['fc3_w'] = u(ks[9], (embedding_dim, hidden_dim), hidden_dim)
    inp['fc3_b'] = u(ks[10], (embedding_dim,), hidden_dim)
    return inp


def reference(obs, cnn1_w, cnn1_b, bn_g, bn_b, cnn2_w, cnn2_b, fc1_w, fc1_b, fc2_w, fc2_b, ln_g, ln_b, fc3_w, fc3_b):
    # ContrastiveSWM.forward(obs) = obj_encoder(obj_extractor(obs))
    num_objects = 5
    # EncoderCNNSmall
    h = _conv(obs, cnn1_w, cnn1_b, 10)              # [B, 16, 51, 51]
    h = jax.nn.relu(_bn_train(h, bn_g, bn_b))
    h = _conv(h, cnn2_w, cnn2_b, 1)                 # [B, 5, 51, 51]
    h = jax.nn.sigmoid(h)
    # EncoderMLP
    flat = h.reshape(-1, num_objects, h.shape[2] * h.shape[3])  # [B, 5, 2601]
    h1 = jax.nn.relu(flat @ fc1_w.T + fc1_b)
    h2 = jax.nn.relu(_ln(h1 @ fc2_w.T + fc2_b, ln_g, ln_b))
    return h2 @ fc3_w.T + fc3_b                     # [B, 5, 128]

if __name__ == "__main__":
    import jax
    _d = setup_inputs()
    print(jax.jit(kernel)(*tuple(_d.values())))

</pallas_src>

<mosaic_0001>
module attributes {stable_mosaic.version = 14 : i64} {
  func.func @_conv_stage(%arg0: i32, %arg1: memref<1x2601x300xbf16, #tpu.memory_space<vmem>>, %arg2: memref<300x16xbf16, #tpu.memory_space<vmem>>, %arg3: memref<16x1xf32, #tpu.memory_space<vmem>>, %arg4: memref<1x16x2601xf32, #tpu.memory_space<vmem>>, %arg5: memref<16x1xf32, #tpu.memory_space<vmem>>, %arg6: memref<16x1xf32, #tpu.memory_space<vmem>>) attributes {dimension_semantics = [#tpu.dimension_semantics<arbitrary>], iteration_bounds = array<i64: 64>, scalar_prefetch = 0 : i64, scratch_operands = 0 : i64, tpu.core_type = #tpu.core_type<tc>, window_params = [{transform_indices = @transform_0, window_bounds = array<i64: 1, 2601, 300>}, {pipeline_mode = #tpu.pipeline_mode<synchronous>, transform_indices = @transform_1, window_bounds = array<i64: 300, 16>}, {pipeline_mode = #tpu.pipeline_mode<synchronous>, transform_indices = @transform_2, window_bounds = array<i64: 16, 1>}, {transform_indices = @transform_3, window_bounds = array<i64: 1, 16, 2601>}, {pipeline_mode = #tpu.pipeline_mode<synchronous>, transform_indices = @transform_4, window_bounds = array<i64: 16, 1>}, {pipeline_mode = #tpu.pipeline_mode<synchronous>, transform_indices = @transform_5, window_bounds = array<i64: 16, 1>}]} {
    %get3A = arith.constant 0 : index
    %get3A_0 = arith.constant 0 : index
    %get3A_1 = vector.load %arg2[%get3A, %get3A_0] : memref<300x16xbf16, #tpu.memory_space<vmem>>, vector<300x16xbf16>
    %get3A_2 = arith.constant 0 : index
    %get3A_3 = arith.constant 0 : index
    %get3A_4 = arith.constant 0 : index
    %get3A_5 = vector.load %arg1[%get3A_2, %get3A_3, %get3A_4] : memref<1x2601x300xbf16, #tpu.memory_space<vmem>>, vector<1x2601x300xbf16>
    %get3A_6 = vector.shape_cast %get3A_5 : vector<1x2601x300xbf16> to vector<2601x300xbf16>
    %dot_general3A = arith.constant dense<0.000000e+00> : vector<16x2601xf32>
    %dot_general3A_7 = tpu.matmul %get3A_1, %get3A_6, %dot_general3A {dimension_numbers = #tpu.dot_dimension_numbers<[0], [1], [1], [0], [0, 1, 1, 0], [], []>, transpose_lhs_hint = false} : vector<300x16xbf16>, vector<2601x300xbf16>, vector<16x2601xf32> -> vector<16x2601xf32>
    %get3A_8 = arith.constant 0 : index
    %get3A_9 = arith.constant 0 : index
    %get3A_10 = vector.load %arg3[%get3A_8, %get3A_9] : memref<16x1xf32, #tpu.memory_space<vmem>>, vector<16x1xf32>
    %add3A = vector.broadcast %get3A_10 : vector<16x1xf32> to vector<16x2601xf32>
    %add3A_11 = arith.addf %dot_general3A_7, %add3A : vector<16x2601xf32>
    %broadcast_in_dim3A = vector.shape_cast %add3A_11 : vector<16x2601xf32> to vector<1x16x2601xf32>
    %swap3A = arith.constant 0 : index
    %swap3A_12 = arith.constant 0 : index
    %swap3A_13 = arith.constant 0 : index
    %swap3A_14 = vector.load %arg4[%swap3A, %swap3A_12, %swap3A_13] : memref<1x16x2601xf32, #tpu.memory_space<vmem>>, vector<1x16x2601xf32>
    tpu.vector_store %arg4[%swap3A, %swap3A_12, %swap3A_13], %broadcast_in_dim3A {strides = array<i32>} : memref<1x16x2601xf32, #tpu.memory_space<vmem>>, vector<1x16x2601xf32>,
    %eq3A = arith.constant 0 : i32
    %eq3A_15 = arith.cmpi eq, %arg0, %eq3A : i32
    %convert_element_type3A = arith.extui %eq3A_15 : i1 to i32
    %cond3A = arith.constant 0 : i32
    %cond3A_16 = arith.cmpi ne, %convert_element_type3A, %cond3A : i32
    scf.if %cond3A_16 {
      %broadcast_in_dim3A_36 = arith.constant 0.000000e+00 : f32
      %broadcast_in_dim3A_37 = vector.broadcast %broadcast_in_dim3A_36 : f32 to vector<16x1xf32>
      %swap3A_38 = arith.constant 0 : index
      %swap3A_39 = arith.constant 0 : index
      %swap3A_40 = vector.load %arg5[%swap3A_38, %swap3A_39] : memref<16x1xf32, #tpu.memory_space<vmem>>, vector<16x1xf32>
      tpu.vector_store %arg5[%swap3A_38, %swap3A_39], %broadcast_in_dim3A_37 {strides = array<i32>} : memref<16x1xf32, #tpu.memory_space<vmem>>, vector<16x1xf32>,
      %broadcast_in_dim3A_41 = arith.constant 0.000000e+00 : f32
      %broadcast_in_dim3A_42 = vector.broadcast %broadcast_in_dim3A_41 : f32 to vector<16x1xf32>
      %swap3A_43 = arith.constant 0 : index
      %swap3A_44 = arith.constant 0 : index
      %swap3A_45 = vector.load %arg6[%swap3A_43, %swap3A_44] : memref<16x1xf32, #tpu.memory_space<vmem>>, vector<16x1xf32>
      tpu.vector_store %arg6[%swap3A_43, %swap3A_44], %broadcast_in_dim3A_42 {strides = array<i32>} : memref<16x1xf32, #tpu.memory_space<vmem>>, vector<16x1xf32>,
    } else {
    }
    %get3A_17 = arith.constant 0 : index
    %get3A_18 = arith.constant 0 : index
    %get3A_19 = vector.load %arg5[%get3A_17, %get3A_18] : memref<16x1xf32, #tpu.memory_space<vmem>>, vector<16x1xf32>
    %reduce_sum3A = arith.constant dense<0.000000e+00> : vector<16xf32>
    %reduce_sum3A_20 = vector.multi_reduction <add>, %add3A_11, %reduce_sum3A [1] : vector<16x2601xf32> to vector<16xf32>
    %broadcast_in_dim3A_21 = vector.shape_cast %reduce_sum3A_20 : vector<16xf32> to vector<16x1xf32>
    %add3A_22 = arith.addf %get3A_19, %broadcast_in_dim3A_21 : vector<16x1xf32>
    %swap3A_23 = arith.constant 0 : index
    %swap3A_24 = arith.constant 0 : index
    %swap3A_25 = vector.load %arg5[%swap3A_23, %swap3A_24] : memref<16x1xf32, #tpu.memory_space<vmem>>, vector<16x1xf32>
    tpu.vector_store %arg5[%swap3A_23, %swap3A_24], %add3A_22 {strides = array<i32>} : memref<16x1xf32, #tpu.memory_space<vmem>>, vector<16x1xf32>,
    %get3A_26 = arith.constant 0 : index
    %get3A_27 = arith.constant 0 : index
    %get3A_28 = vector.load %arg6[%get3A_26, %get3A_27] : memref<16x1xf32, #tpu.memory_space<vmem>>, vector<16x1xf32>
    %mul3A = arith.mulf %add3A_11, %add3A_11 : vector<16x2601xf32>
    %reduce_sum3A_29 = arith.constant dense<0.000000e+00> : vector<16xf32>
    %reduce_sum3A_30 = vector.multi_reduction <add>, %mul3A, %reduce_sum3A_29 [1] : vector<16x2601xf32> to vector<16xf32>
    %broadcast_in_dim3A_31 = vector.shape_cast %reduce_sum3A_30 : vector<16xf32> to vector<16x1xf32>
    %add3A_32 = arith.addf %get3A_28, %broadcast_in_dim3A_31 : vector<16x1xf32>
    %swap3A_33 = arith.constant 0 : index
    %swap3A_34 = arith.constant 0 : index
    %swap3A_35 = vector.load %arg6[%swap3A_33, %swap3A_34] : memref<16x1xf32, #tpu.memory_space<vmem>>, vector<16x1xf32>
    tpu.vector_store %arg6[%swap3A_33, %swap3A_34], %add3A_32 {strides = array<i32>} : memref<16x1xf32, #tpu.memory_space<vmem>>, vector<16x1xf32>,
    return
  }
  func.func @transform_0(%arg0: i32) -> (i32, i32, i32) {
    %c0_i32 = arith.constant 0 : i32
    %c0_i32_0 = arith.constant 0 : i32
    %c0_i32_1 = arith.constant 0 : i32
    return %arg0, %c0_i32, %c0_i32_0 : i32, i32, i32
  }
  func.func @transform_1(%arg0: i32) -> (i32, i32) {
    %c0_i32 = arith.constant 0 : i32
    %c0_i32_0 = arith.constant 0 : i32
    %c0_i32_1 = arith.constant 0 : i32
    return %c0_i32, %c0_i32_0 : i32, i32
  }
  func.func @transform_2(%arg0: i32) -> (i32, i32) {
    %c0_i32 = arith.constant 0 : i32
    %c0_i32_0 = arith.constant 0 : i32
    %c0_i32_1 = arith.constant 0 : i32
    return %c0_i32, %c0_i32_0 : i32, i32
  }
  func.func @transform_3(%arg0: i32) -> (i32, i32, i32) {
    %c0_i32 = arith.constant 0 : i32
    %c0_i32_0 = arith.constant 0 : i32
    %c0_i32_1 = arith.constant 0 : i32
    return %arg0, %c0_i32, %c0_i32_0 : i32, i32, i32
  }
  func.func @transform_4(%arg0: i32) -> (i32, i32) {
    %c0_i32 = arith.constant 0 : i32
    %c0_i32_0 = arith.constant 0 : i32
    %c0_i32_1 = arith.constant 0 : i32
    return %c0_i32, %c0_i32_0 : i32, i32
  }
  func.func @transform_5(%arg0: i32) -> (i32, i32) {
    %c0_i32 = arith.constant 0 : i32
    %c0_i32_0 = arith.constant 0 : i32
    %c0_i32_1 = arith.constant 0 : i32
    return %c0_i32, %c0_i32_0 : i32, i32
  }
}

module attributes {stable_mosaic.version = 14 : i64} {
  func.func @_mlp_stage(%arg0: memref<64x16x2601xf32, #tpu.memory_space<vmem>>, %arg1: memref<16x1xf32, #tpu.memory_space<vmem>>, %arg2: memref<16x1xf32, #tpu.memory_space<vmem>>, %arg3: memref<5x16xf32, #tpu.memory_space<vmem>>, %arg4: memref<5x1x1xf32, #tpu.memory_space<vmem>>, %arg5: memref<2601x256xf32, #tpu.memory_space<vmem>>, %arg6: memref<1x256xf32, #tpu.memory_space<vmem>>, %arg7: memref<256x256xf32, #tpu.memory_space<vmem>>, %arg8: memref<1x256xf32, #tpu.memory_space<vmem>>, %arg9: memref<1x256xf32, #tpu.memory_space<vmem>>, %arg10: memref<1x256xf32, #tpu.memory_space<vmem>>, %arg11: memref<256x128xf32, #tpu.memory_space<vmem>>, %arg12: memref<1x128xf32, #tpu.memory_space<vmem>>, %arg13: memref<320x128xf32, #tpu.memory_space<vmem>>) attributes {dimension_semantics = [], scalar_prefetch = 0 : i64, scratch_operands = 0 : i64, tpu.core_type = #tpu.core_type<tc>} {
    %get3A = arith.constant 0 : index
    %get3A_0 = arith.constant 0 : index
    %get3A_1 = arith.constant 0 : index
    %get3A_2 = vector.load %arg0[%get3A, %get3A_0, %get3A_1] : memref<64x16x2601xf32, #tpu.memory_space<vmem>>, vector<64x16x2601xf32>
    %get3A_3 = arith.constant 0 : index
    %get3A_4 = arith.constant 0 : index
    %get3A_5 = vector.load %arg1[%get3A_3, %get3A_4] : memref<16x1xf32, #tpu.memory_space<vmem>>, vector<16x1xf32>
    %broadcast_in_dim3A = vector.shape_cast %get3A_5 : vector<16x1xf32> to vector<1x16x1xf32>
    %mul3A = vector.broadcast %broadcast_in_dim3A : vector<1x16x1xf32> to vector<64x16x2601xf32>
    %mul3A_6 = arith.mulf %get3A_2, %mul3A : vector<64x16x2601xf32>
    %get3A_7 = arith.constant 0 : index
    %get3A_8 = arith.constant 0 : index
    %get3A_9 = vector.load %arg2[%get3A_7, %get3A_8] : memref<16x1xf32, #tpu.memory_space<vmem>>, vector<16x1xf32>
    %broadcast_in_dim3A_10 = vector.shape_cast %get3A_9 : vector<16x1xf32> to vector<1x16x1xf32>
    %add3A = vector.broadcast %broadcast_in_dim3A_10 : vector<1x16x1xf32> to vector<64x16x2601xf32>
    %add3A_11 = arith.addf %mul3A_6, %add3A : vector<64x16x2601xf32>
    %max3A = arith.constant 0.000000e+00 : f32
    %max3A_12 = vector.broadcast %max3A : f32 to vector<64x16x2601xf32>
    %max3A_13 = arith.maximumf %add3A_11, %max3A_12 : vector<64x16x2601xf32>
    %get3A_14 = arith.constant 0 : index
    %get3A_15 = arith.constant 0 : index
    %get3A_16 = vector.load %arg3[%get3A_14, %get3A_15] : memref<5x16xf32, #tpu.memory_space<vmem>>, vector<5x16xf32>
    %dot_general3A = arith.constant dense<0.000000e+00> : vector<5x64x2601xf32>
    %dot_general3A_17 = tpu.matmul %get3A_16, %max3A_13, %dot_general3A {dimension_numbers = #tpu.dot_dimension_numbers<[1], [1], [0], [0, 2], [0, 0, 1, 0, 1, 2], [], []>, transpose_lhs_hint = false} : vector<5x16xf32>, vector<64x16x2601xf32>, vector<5x64x2601xf32> -> vector<5x64x2601xf32>
    %get3A_18 = arith.constant 0 : index
    %get3A_19 = arith.constant 0 : index
    %get3A_20 = arith.constant 0 : index
    %get3A_21 = vector.load %arg4[%get3A_18, %get3A_19, %get3A_20] : memref<5x1x1xf32, #tpu.memory_space<vmem>>, vector<5x1x1xf32>
    %add3A_22 = vector.broadcast %get3A_21 : vector<5x1x1xf32> to vector<5x64x2601xf32>
    %add3A_23 = arith.addf %dot_general3A_17, %add3A_22 : vector<5x64x2601xf32>
    %logistic3A = arith.negf %add3A_23 : vector<5x64x2601xf32>
    %logistic3A_24 = math.exp %logistic3A : vector<5x64x2601xf32>
    %logistic3A_25 = arith.constant 1.000000e+00 : f32
    %logistic3A_26 = vector.broadcast %logistic3A_25 : f32 to vector<5x64x2601xf32>
    %logistic3A_27 = arith.addf %logistic3A_26, %logistic3A_24 : vector<5x64x2601xf32>
    %logistic3A_28 = arith.divf %logistic3A_26, %logistic3A_27 : vector<5x64x2601xf32>
    %reshape3A = vector.shape_cast %logistic3A_28 : vector<5x64x2601xf32> to vector<320x2601xf32>
    %get3A_29 = arith.constant 0 : index
    %get3A_30 = arith.constant 0 : index
    %get3A_31 = vector.load %arg5[%get3A_29, %get3A_30] : memref<2601x256xf32, #tpu.memory_space<vmem>>, vector<2601x256xf32>
    %dot_general3A_32 = arith.constant dense<0.000000e+00> : vector<320x256xf32>
    %dot_general3A_33 = tpu.matmul %reshape3A, %get3A_31, %dot_general3A_32 {dimension_numbers = #tpu.dot_dimension_numbers<[1], [0], [0], [1], [0, 0, 1, 1], [], []>, transpose_lhs_hint = false} : vector<320x2601xf32>, vector<2601x256xf32>, vector<320x256xf32> -> vector<320x256xf32>
    %get3A_34 = arith.constant 0 : index
    %get3A_35 = arith.constant 0 : index
    %get3A_36 = vector.load %arg6[%get3A_34, %get3A_35] : memref<1x256xf32, #tpu.memory_space<vmem>>, vector<1x256xf32>
    %add3A_37 = vector.broadcast %get3A_36 : vector<1x256xf32> to vector<320x256xf32>
    %add3A_38 = arith.addf %dot_general3A_33, %add3A_37 : vector<320x256xf32>
    %max3A_39 = arith.constant 0.000000e+00 : f32
    %max3A_40 = vector.broadcast %max3A_39 : f32 to vector<320x256xf32>
    %max3A_41 = arith.maximumf %add3A_38, %max3A_40 : vector<320x256xf32>
    %get3A_42 = arith.constant 0 : index
    %get3A_43 = arith.constant 0 : index
    %get3A_44 = vector.load %arg7[%get3A_42, %get3A_43] : memref<256x256xf32, #tpu.memory_space<vmem>>, vector<256x256xf32>
    %dot_general3A_45 = arith.constant dense<0.000000e+00> : vector<320x256xf32>
    %dot_general3A_46 = tpu.matmul %max3A_41, %get3A_44, %dot_general3A_45 {dimension_numbers = #tpu.dot_dimension_numbers<[1], [0], [0], [1], [0, 0, 1, 1], [], []>, transpose_lhs_hint = false} : vector<320x256xf32>, vector<256x256xf32>, vector<320x256xf32> -> vector<320x256xf32>
    %get3A_47 = arith.constant 0 : index
    %get3A_48 = arith.constant 0 : index
    %get3A_49 = vector.load %arg8[%get3A_47, %get3A_48] : memref<1x256xf32, #tpu.memory_space<vmem>>, vector<1x256xf32>
    %add3A_50 = vector.broadcast %get3A_49 : vector<1x256xf32> to vector<320x256xf32>
    %add3A_51 = arith.addf %dot_general3A_46, %add3A_50 : vector<320x256xf32>
    %reduce_sum3A = arith.constant dense<0.000000e+00> : vector<320xf32>
    %reduce_sum3A_52 = vector.multi_reduction <add>, %add3A_51, %reduce_sum3A [1] : vector<320x256xf32> to vector<320xf32>
    %broadcast_in_dim3A_53 = vector.shape_cast %reduce_sum3A_52 : vector<320xf32> to vector<320x1xf32>
    %div3A = arith.constant 2.560000e+02 : f32
    %div3A_54 = vector.broadcast %div3A : f32 to vector<320x1xf32>
    %div3A_55 = arith.divf %broadcast_in_dim3A_53, %div3A_54 : vector<320x1xf32>
    %mul3A_56 = arith.mulf %add3A_51, %add3A_51 : vector<320x256xf32>
    %reduce_sum3A_57 = arith.constant dense<0.000000e+00> : vector<320xf32>
    %reduce_sum3A_58 = vector.multi_reduction <add>, %mul3A_56, %reduce_sum3A_57 [1] : vector<320x256xf32> to vector<320xf32>
    %broadcast_in_dim3A_59 = vector.shape_cast %reduce_sum3A_58 : vector<320xf32> to vector<320x1xf32>
    %div3A_60 = arith.constant 2.560000e+02 : f32
    %div3A_61 = vector.broadcast %div3A_60 : f32 to vector<320x1xf32>
    %div3A_62 = arith.divf %broadcast_in_dim3A_59, %div3A_61 : vector<320x1xf32>
    %mul3A_63 = arith.mulf %div3A_55, %div3A_55 : vector<320x1xf32>
    %sub3A = arith.subf %div3A_62, %mul3A_63 : vector<320x1xf32>
    %sub3A_64 = vector.broadcast %div3A_55 : vector<320x1xf32> to vector<320x256xf32>
    %sub3A_65 = arith.subf %add3A_51, %sub3A_64 : vector<320x256xf32>
    %add3A_66 = arith.constant 9.99999974E-6 : f32
    %add3A_67 = vector.broadcast %add3A_66 : f32 to vector<320x1xf32>
    %add3A_68 = arith.addf %sub3A, %add3A_67 : vector<320x1xf32>
    %rsqrt3A = math.rsqrt %add3A_68 : vector<320x1xf32>
    %mul3A_69 = vector.broadcast %rsqrt3A : vector<320x1xf32> to vector<320x256xf32>
    %mul3A_70 = arith.mulf %sub3A_65, %mul3A_69 : vector<320x256xf32>
    %get3A_71 = arith.constant 0 : index
    %get3A_72 = arith.constant 0 : index
    %get3A_73 = vector.load %arg9[%get3A_71, %get3A_72] : memref<1x256xf32, #tpu.memory_space<vmem>>, vector<1x256xf32>
    %mul3A_74 = vector.broadcast %get3A_73 : vector<1x256xf32> to vector<320x256xf32>
    %mul3A_75 = arith.mulf %mul3A_70, %mul3A_74 : vector<320x256xf32>
    %get3A_76 = arith.constant 0 : index
    %get3A_77 = arith.constant 0 : index
    %get3A_78 = vector.load %arg10[%get3A_76, %get3A_77] : memref<1x256xf32, #tpu.memory_space<vmem>>, vector<1x256xf32>
    %add3A_79 = vector.broadcast %get3A_78 : vector<1x256xf32> to vector<320x256xf32>
    %add3A_80 = arith.addf %mul3A_75, %add3A_79 : vector<320x256xf32>
    %max3A_81 = arith.constant 0.000000e+00 : f32
    %max3A_82 = vector.broadcast %max3A_81 : f32 to vector<320x256xf32>
    %max3A_83 = arith.maximumf %add3A_80, %max3A_82 : vector<320x256xf32>
    %get3A_84 = arith.constant 0 : index
    %get3A_85 = arith.constant 0 : index
    %get3A_86 = vector.load %arg11[%get3A_84, %get3A_85] : memref<256x128xf32, #tpu.memory_space<vmem>>, vector<256x128xf32>
    %dot_general3A_87 = arith.constant dense<0.000000e+00> : vector<320x128xf32>
    %dot_general3A_88 = tpu.matmul %max3A_83, %get3A_86, %dot_general3A_87 {dimension_numbers = #tpu.dot_dimension_numbers<[1], [0], [0], [1], [0, 0, 1, 1], [], []>, transpose_lhs_hint = false} : vector<320x256xf32>, vector<256x128xf32>, vector<320x128xf32> -> vector<320x128xf32>
    %get3A_89 = arith.constant 0 : index
    %get3A_90 = arith.constant 0 : index
    %get3A_91 = vector.load %arg12[%get3A_89, %get3A_90] : memref<1x128xf32, #tpu.memory_space<vmem>>, vector<1x128xf32>
    %add3A_92 = vector.broadcast %get3A_91 : vector<1x128xf32> to vector<320x128xf32>
    %add3A_93 = arith.addf %dot_general3A_88, %add3A_92 : vector<320x128xf32>
    %swap3A = arith.constant 0 : index
    %swap3A_94 = arith.constant 0 : index
    %swap3A_95 = vector.load %arg13[%swap3A, %swap3A_94] : memref<320x128xf32, #tpu.memory_space<vmem>>, vector<320x128xf32>
    tpu.vector_store %arg13[%swap3A, %swap3A_94], %add3A_93 {strides = array<i32>} : memref<320x128xf32, #tpu.memory_space<vmem>>, vector<320x128xf32>,
    return
  }
}

</mosaic_0001>

<sc_bundles>
// kernel: sparse-core-data-format-call.1.cloned.1.call-start
scs
called_computation.1_lowered:
.L_overlay_start_0:
0x0: {  	s1 =	sld [smem:$0x3FD9]  }
0x1: {  	s2 =	sld [smem:$0x3FFE];
	_ =	sdelay $0x1  }
0x2: {  	s3 =	srdreg.scid  }
0x3: {  	s0 =	sand.u32 $0x1, s3  }
0x4: {  	s17 =	sshll.u32 s0, $0xA;
	s1 =	sadd.s32 s2, s1  }
0x5: {  	s1 =	sadd.s32 s1, s17  }
0x6: {  	[smem:$0x3FB9] =	sst s1  }
0x7: {  	_ = 	snop  }
0x8: {  	(tm) =	ssettm $0x1  }
0x9: {  	s18 =	sld [smem:$0x3FFB];
	_ =	sdelay $0x3  }
0xa: {  	_ =	strace s18  }
0xb: {  	s1 =	sld [smem:$0x3FFC];
	_ =	sdelay $0x3  }
0xc: {  	_ =	strace s1  }
0xd: {  	s1 =	sld [smem:$0x3FFD];
	_ =	sdelay $0x3  }
0xe: {  	_ =	strace s1  }
0xf: {  	_ =	strace $0x8FFFFFFF  }
0x10: {  	s19 =	sld [smem:$0x3FDB];
	_ =	sdelay $0x1  }
0x11: {  	s20 =	simm.s32 $_scs_section_size  }
0x12: {  	s4 =	simm.s32 $_size__tile_overlayer_lowered;
	s5 =	simm.s32 $_tile_overlayer_lowered  }
0x13: {  	s23 =	simm.s32 $0x1BFF;
	s22 =	sshll.u32 s5, $0x1;
	s1 =	sadd.s32 s20, s19  }
0x14: {  	s6 =	simm.s32 $0x0;
	s21 =	sshll.u32 s4, $0x1;
	s4 =	sadd.s32 s22, s1  }
0x15: {  	[timem:s6], [sflag:s23] =	dma.local [hbm:s4], s21  }
0x16: {  	_ =	swait.ge [sflag:s23], s21  }
0x17: {  	s2 =	ssub.s32 $0x0, s21;
	[sflag:s23] =	ssyncset.done $0x0  }
0x18: {  	[sflag:s23] =	ssyncadd.s32 s2;
	_ =	sdelay $0x1  }
0x19: {  	s24 =	simm.s32 $0x1B8B  }
0x1a: {  	_ =	swait.ge [sflag:s24], $0x1  }
0x1b: {  	[sflag:s24] =	ssyncset.done $0x0  }
0x1c: {  	s26 =	simm.s32 $0x1B8E;
	s25 =	sld [smem:$0x3FFE];
	[sflag:s24] =	ssyncadd.s32 $0xFFFFFFFF  }
0x1d: {  	s27 =	simm.s32 $execute0_lowered;
	[smem:$0x3FD2] =	sst s26  }
0x1e: {  	s4 =	sshll.u32 s27, $0x1;
	_ =	strace $0x80000046;
	[dreg:$0x1] =	wrdreg $0xFFFFFFFF  }
0x1f: {  	s28 =	simm.s32 $_size_execute0_lowered;
	s1 =	sadd.s32 s1, s4;
	[dreg:$0x0] =	wrdreg $0x0  }
0x20: {  	s4 =	sshll.u32 s28, $0x1;
	[dreg:$0x2] =	wrdreg s1  }
0x21: {  	[dreg:$0x3] =	wrdreg s4  }
0x22: {  	[dreg:$0x4] =	wrdreg $0xC0  }
0x23: {  	_ =	task [dreg:s6], $0x5FFFF  }
0x24: {  	[dreg:$0x1] =	wrdreg $0xFFFFFFFF  }
0x25: {  	[dreg:$0x0] =	wrdreg $0x60  }
0x26: {  	[dreg:$0x2] =	wrdreg s25  }
0x27: {  	[dreg:$0x3] =	wrdreg $0x9  }
0x28: {  	_ =	task.clear_ibuf [dreg:s6], $0x4FFFF;
	_ =	strace $0x90000046  }
0x29: {  	s29 =	simm.s32 $0x9;
	_ =	strace $0x80000048  }
0x2a: {  	_ =	swait.ge [sflag:s29], $0x1  }
0x2b: {  	[sflag:s29] =	ssyncadd.s32 $0xFFFFFFFF  }
0x2c: {  	_ =	strace $0x90000048  }
0x2d: {  	_ =	sfence  }
0x2e: {  	s30 =	sld [smem:$0x0];
	_ =	sdelay $0x2  }
0x2f: {  	s31 =	sshll.u32 s3, $0xD;
	s3 =	sshrl.u32 s3, $0x2  }
0x30: {  	s2 =	sand.u32 $0x4000, s31;
	s1 =	sadd.s32 s3, s30  }
0x31: {  	s0 =	sor.u32 s2, s0;
	s1 =	sshll.u32 s1, $0x11  }
0x32: {  	s0 =	sor.u32 s1, s0  }
0x33: {  	s0 =	sadd.s32 $0x8F2B, s0  }
0x34: {  	[sflag:s0] =	ssyncadd.remote.s32 $0x1  }
0x35: {  	_ =	sfence.sel $0xFFFF  }
0x36: {  	[dreg:$0x0] =	wrdreg $0xFFFFFFFF;
	(pc) =	sbr.abs _section_cstart, $3  }
0x37: {  	[dreg:$0x1] =	wrdreg $0xFFFFFFFF  }
0x38: {  	_ =	task.clear_ibuf [dreg:s6], $0x2FFFF;
	_ =	strace $0x9FFFFFFF  }
0x39: {  	(tm) =	ssettm $0x7FFFFFFF  }
tec
execute0_lowered:
.L_overlay_start_1:
0x0: {  	(tag) =	ssettag $0x1  }
0x1: {  	s9 =	rddreg [dreg:$0x0]  }
0x2: {  	s1 =	srdreg.scid;
	s0 =	rddreg [dreg:$0x1]  }
0x3: {  	_ =	strace $0x80000047;
	s10 =	simm.s32 $0x2;
	s7 =	simm.s32 $0x5D  }
0x4: {  	s19 =	simm.s32 $0x0;
	s11 =	simm.s32 $0x80;
	s17 =	simm.s32 $0x0  }
0x5: {  	s18 =	simm.s32 $0x0;
	s16 =	simm.s32 $0x0;
	s13 =	simm.s32 $0x0  }
0x6: {  	s14 =	simm.s32 $0x0;
	s15 =	simm.s32 $0x0;
	s2 =	sshll.u32 s1, $0x4  }
0x7: {  	s1 =	stileid.u32;
	s3 =	sadd.s32 $0x303800, s9;
	s4 =	sand.u32 $0x10, s2  }
0x8: {  	s2 =	sadd.s32 $0x3800, s9;
	s5 =	sshll.u32 s1, $0x1;
	s9 =	sadd.s32 $0x304800, s9  }
.Ltmp0:
0x9: {  	s8 =	sor.u32 s1, s4;
	s4 =	simm.s32 $0x1;
	(pc) =	sbr.rel .LBB1_1-.Ltmp0, $4  }
0xa: {  	s5 =	sand.u32 $0xE, s5;
	s6 =	sshll.u32 s8, $0xB;
	[sflag:s4] =	ssyncpa.u1 $0x0  }
0xb: {  	p0 =	seq.s32 s5, $0xE;
	s8 =	sshll.u32 s8, $0x7;
	s12 =	smov.u32 s5  }
0xc: {  	s6 =	sand.u32 $0xC000, s6;
	[sflag:s10] =	ssyncpa.u1 $0x0;
	s7 =	simm.s32 @!p0 $0x60  }
0xd: {  	s8 =	sand.u32 $0xC00, s8;
	p0 =	por $0x0, $0x0;
	s10 =	sadd.s32 $0x1, s7  }
.LBB1_4:
0xe: {  	v11 =	vld [tilespmem:s24+$0xFFFFFFE0];
	v12 =	vcombine.low v6, v7  }
0xf: {  	v3 =	vperm.xlane.i2c.b16 v3;
	[tilespmem:s26+$0x1C70 ss:$0x41] =	vst.msk $0xffff, v9;
	v45 =	vld [tilespmem:s24+$0xFFFFFFF0];
	v4 =	vperm.xlane.i2c.b16 v4  }
0x10: {  	v46 =	vcombine.high v6, v7;
	[tilespmem:s23+$0x1040 ss:$0x41] =	vst.msk $0xffff, v10;
	v47 =	vld [tilespmem:s24+$0x0];
	v5 =	vperm.xlane.i2c.b16 v5  }
0x11: {  	v49 =	vld [tilespmem:s24+$0x10];
	v1 =	vperm.xlane.i2c.b16 v1;
	[tilespmem:s26+$0x410 ss:$0x41] =	vst.msk $0xffff, v12;
	v48 =	vcombine.low v8, v3  }
0x12: {  	v51 =	vld [tilespmem:s24+$0xFFFFFFC0];
	v58 =	vperm.xlane.i2c.b16 v2;
	v50 =	vcombine.low v4, v0;
	[tilespmem:s26+$0x1450 ss:$0x41] =	vst.msk $0xffff, v46  }
0x13: {  	s31 =	sshra.s32 s25, $0x2;
	v3 =	vcombine.high v8, v3;
	v52 =	vcombine.low v1, v5;
	[tilespmem:s26+$0x820 ss:$0x41] =	vst.msk $0xffff, v48  }
0x14: {  	s22 =	sadd.s32 s31, s22;
	v1 =	vcombine.high v1, v5;
	v55 =	vcombine.high v4, v0;
	[tilespmem:s26+$0x0 ss:$0x41] =	vst.msk $0xffff, v50  }
0x15: {  	[tilespmem:s22+$0xC30 ss:$0x41] =	vst.msk $0xffff, v52;
	v11 =	vperm.xlane.i2c.b16 v11;
	v53 =	vperm.xlane.i2c.b16 v45  }
0x16: {  	[tilespmem:s26+$0x1860 ss:$0x41] =	vst.msk $0xffff, v3;
	v54 =	vperm.xlane.i2c.b16 v47;
	v57 =	vperm.xlane.i2c.b16 v49  }
0x17: {  	s24 =	sshll.u32 s16, $0x3;
	[tilespmem:s22+$0x1C70 ss:$0x41] =	vst.msk $0xffff, v1;
	v60 =	vperm.xlane.i2c.b16 v51;
	v56 =	vcombine.low v11, v53  }
0x18: {  	s25 =	sshll.u32 s16, $0x1;
	s18 =	smul.u32 $0x1FE000, s18;
	s17 =	sshll.u32 s17, $0xC;
	[tilespmem:s26+$0x1040 ss:$0x41] =	vst.msk $0xffff, v55;
	v61 =	vcombine.low v54, v57  }
0x19: {  	s27 =	sshrl.u32 s16, $0x3;
	s29 =	sand.u32 $0x7, s16;
	s23 =	sand.u32 $0xFC00, s24;
	v63 =	vcombine.low v60, v58;
	[tilespmem:s22+$0x410 ss:$0x41] =	vst.msk $0xffff, v56  }
0x1a: {  	s16 =	sshll.u32 s29, $0x12;
	s19 =	sadd.s32 s23, s19;
	s26 =	sand.u32 $0x80, s25;
	v59 =	vcombine.high v11, v53;
	[tilespmem:s22+$0x820 ss:$0x41] =	vst.msk $0xffff, v61  }
0x1b: {  	s28 =	sadd.s32 s18, s17;
	s23 =	sand.u32 $0x7, s27;
	s19 =	sor.u32 s26, s19;
	v62 =	vcombine.high v54, v57;
	[tilespmem:s22+$0x0 ss:$0x41] =	vst.msk $0xffff, v63  }
0x1c: {  	s18 =	sadd.s32 s18, s9;
	s24 =	sadd.s32 s3, s28;
	s19 =	sshrl.u32 s19, $0x4;
	v0 =	vcombine.high v60, v58;
	[tilespmem:s22+$0x1450 ss:$0x41] =	vst.msk $0xffff, v59  }
0x1d: {  	s18 =	sadd.s32 s23, s18;
	s24 =	sadd.s32 s23, s24;
	s19 =	sand.u32 $0xFC8, s19;
	[tilespmem:s22+$0x1860 ss:$0x41] =	vst.msk $0xffff, v62  }
0x1e: {  	s16 =	sor.u32 $0x40, s16;
	s17 =	sadd.s32 s17, s18;
	s30 =	sadd.s32 s19, s24;
	[tilespmem:s22+$0x1040 ss:$0x41] =	vst.msk $0xffff, v0  }
0x1f: {  	[hbm4b:s30+s16] =	stream.strided.scatter [tilespmem:s21], [sflag:$0x2], $0x1000, s11, s16, $0x18;
	[tilespmem:$0x8100] =	vst v63  }
0x20: {  	s31 =	sadd.s32 $0x5040, s20;
	s17 =	sadd.s32 s19, s17  }
0x21: {  	[hbm4b:s17+s16] =	stream.strided.scatter [tilespmem:s31], [sflag:$0x2], $0x1000, s11, s16, $0x18;
	[tilespmem:$0x8100] =	vst v63  }
.LBB1_5:
0x22: {  	s20 =	sadd.s32 $0x10, s12  }
0x23: {  	s16 =	simm.s32 $0x1;
	p2 =	sgt.s32 s20, $0x1FD  }
0x24: {  	s16 =	simm.s32 @!p2 $0x0  }
0x25: {  	s21 =	sadd.s32 s16, s13  }
0x26: {  	s22 =	smov.u32 s14;
	s16 =	sadd.s32 $0x40, s14;
	p3 =	sgt.s32 s21, $0x2  }
0x27: {  	s22 =	smov.u32 @p3 s16  }
0x28: {  	p1 =	slt.u32 s15, $0x2;
	s20 =	smov.u32 @p2 s5;
	p2 =	sgt.s32 s22, $0x3F  }
0x29: {  	s19 =	simm.s32 @!p1 $0x2;
	s22 =	simm.s32 @p2 $0x0;
	p2 =	sne.s32 s15, s10  }
.Ltmp1:
0x2a: {  	_ =	swait.ge @!p1 [sflag:s19], $0x2000;
	(pc) =	sbr.rel @!p2 .LBB1_6-.Ltmp1, $4  }
0x2b: {  	s17 =	smov.u32 s12;
	s18 =	smov.u32 s13;
	[sflag:s19] =	ssyncset.done @!p1 $0x0  }
0x2c: {  	p0 =	por !p0, !p0;
	s12 =	smov.u32 s20;
	[sflag:s19] =	ssyncadd.s32 @!p1 $0xFFFFE000  }
0x2d: {  	s19 =	smov.u32 s6;
	s21 =	simm.s32 @p3 $0x0;
	s16 =	smov.u32 s14  }
0x2e: {  	s13 =	smov.u32 s21;
	s15 =	sadd.s32 $0x1, s15;
	s14 =	smov.u32 s22  }
.LBB1_1:
0x2f: {  	p1 =	sge.u32 s15, s7  }
0x30: {  	s20 =	sshll.u32 @!p1 s12, $0x9;
	s21 =	sshll.u32 @!p1 s12, $0x7;
	s22 =	smul.u32 @!p1 $0xC000, s14  }
0x31: {  	s23 =	sshll.u32 @!p1 s13, $0xE;
	s24 =	sshll.u32 @!p1 s12, $0x3;
	s20 =	sand.u32 @!p1 $0x3F000, s20  }
0x32: {  	s21 =	sand.u32 @!p1 $0x200, s21;
	s20 =	sor.u32 @!p1 s8, s20;
	s22 =	sadd.s32 @!p1 s2, s22  }
0x33: {  	s20 =	sor.u32 @!p1 s21, s20;
	s21 =	sand.u32 @!p1 $0x10, s24;
	s22 =	sadd.s32 @!p1 s23, s22  }
0x34: {  	s23 =	sxor.u32 @!p1 $0xFFFFFFFF, s15;
	s20 =	sshrl.u32 @!p1 s20, $0x4;
	s21 =	sadd.s32 @!p1 s21, s22  }
0x35: {  	s31 =	sadd.s32 $0xFFFFFFFF, s15;
	s20 =	sadd.s32 @!p1 s20, s21;
	s21 =	sshll.u32 @!p1 s23, $0xD  }
0x36: {  	s22 =	simm.s32 @!p1 $0x80;
	s23 =	simm.s32 @!p1 $0x60000;
	s21 =	sand.u32 @!p1 $0x2000, s21  }
0x37: {  	[tilespmem:s21], [sflag:$0x1] =	stream.strided.gather @!p1 [hbm4b:s20+s22], $0x2000, s23, s22, $0x38;
	[tilespmem:$0x8100] =	vst v63  }
0x38: {  	p1 =	sge.u32 s31, s7  }
.Ltmp2:
0x39: {  	_ = 	snop;
	(pc) =	sbr.rel @p1 .LBB1_5-.Ltmp2, $1  }
0x3a: {  	_ =	sdelay $0x3  }
0x3b: {  	s20 =	simm.s32 $0x1  }
0x3c: {  	_ =	swait.ge [sflag:s4], $0x2000;
	s20 =	simm.s32 @!p0 $0x0  }
0x3d: {  	[sflag:s4] =	ssyncset.done $0x0;
	s21 =	sshll.u32 s20, $0xD  }
0x3e: {  	[sflag:s4] =	ssyncadd.s32 $0xFFFFE000;
	s21 =	sor.u32 $0x40, s21  }
0x3f: {  	v0 =	vld [tilespmem:s21+$0x20]  }
0x40: {  	v1 =	vld [tilespmem:s21+$0x30]  }
0x41: {  	v2 =	vld [tilespmem:s21+$0xFFFFFFD0]  }
0x42: {  	v3 =	vld [tilespmem:s21+$0xFFFFFFE0]  }
0x43: {  	v4 =	vld [tilespmem:s21+$0xFFFFFFF0]  }
0x44: {  	v5 =	vld [tilespmem:s21+$0x0]  }
0x45: {  	v6 =	vld [tilespmem:s21+$0x10]  }
0x46: {  	v7 =	vld [tilespmem:s21+$0xFFFFFFC0]  }
0x47: {  	s20 =	smul.u32 $0x8200, s20;
	v1 =	vperm.xlane.i2c.b16 v1;
	v0 =	vperm.xlane.i2c.b16 v0  }
0x48: {  	s21 =	sadd.s32 $0x80, s21;
	v10 =	vperm.xlane.i2c.b16 v2;
	v3 =	vperm.xlane.i2c.b16 v3  }
0x49: {  	s20 =	sshrl.u32 s20, $0x2;
	v9 =	vld [tilespmem:s21+$0x30];
	v4 =	vperm.xlane.i2c.b16 v4;
	v5 =	vperm.xlane.i2c.b16 v5  }
0x4a: {  	s22 =	sor.u32 $0x4000, s20;
	v2 =	vld [tilespmem:s21+$0x20];
	v6 =	vperm.xlane.i2c.b16 v6;
	v8 =	vcombine.low v0, v1  }
0x4b: {  	v12 =	vld [tilespmem:s21+$0xFFFFFFF0];
	s23 =	sadd.s32 $0x0, s22;
	v13 =	vperm.xlane.i2c.b16 v7;
	v11 =	vcombine.low v3, v4  }
0x4c: {  	v0 =	vcombine.high v0, v1;
	v1 =	vld [tilespmem:s21+$0xFFFFFFD0];
	v7 =	vcombine.low v5, v6;
	[tilespmem:s23+$0xC30 ss:$0x41] =	vst.msk $0xffff, v8  }
0x4d: {  	v8 =	vld [tilespmem:s21+$0xFFFFFFE0];
	[tilespmem:s23+$0x410 ss:$0x41] =	vst.msk $0xffff, v11  }
0x4e: {  	v14 =	vld [tilespmem:s21+$0x0];
	v9 =	vperm.xlane.i2c.b16 v9;
	v5 =	vcombine.high v5, v6;
	[tilespmem:s23+$0x820 ss:$0x41] =	vst.msk $0xffff, v7  }
0x4f: {  	s31 =	sand.u32 $0x1, s15;
	[tilespmem:s23+$0x1C70 ss:$0x41] =	vst.msk $0xffff, v0;
	v0 =	vcombine.high v3, v4;
	v3 =	vld [tilespmem:s21+$0x10];
	v2 =	vperm.xlane.i2c.b16 v2  }
0x50: {  	s20 =	smul.u32 $0x8200, s31;
	s24 =	sadd.s32 $0x80, s21;
	v11 =	vcombine.low v13, v10;
	v7 =	vperm.xlane.i2c.b16 v12;
	v4 =	vld [tilespmem:s21+$0xFFFFFFC0];
	[tilespmem:s23+$0x1860 ss:$0x41] =	vst.msk $0xffff, v5  }
0x51: {  	v5 =	vld [tilespmem:s24+$0x30];
	[tilespmem:s23+$0x1450 ss:$0x41] =	vst.msk $0xffff, v0;
	v0 =	vperm.xlane.i2c.b16 v1;
	v15 =	vcombine.low v2, v9  }
0x52: {  	s26 =	sadd.s32 $0x1, s22;
	s20 =	sshrl.u32 s20, $0x2;
	[tilespmem:s23+$0x0 ss:$0x41] =	vst.msk $0xffff, v11;
	v1 =	vld [tilespmem:s24+$0x20];
	v9 =	vcombine.high v2, v9;
	v6 =	vperm.xlane.i2c.b16 v8  }
0x53: {  	s25 =	simm.s32 $0x8;
	s27 =	simm.s32 $0xC;
	v10 =	vcombine.high v13, v10;
	s21 =	sor.u32 $0x4000, s20;
	v2 =	vld [tilespmem:s24+$0xFFFFFFD0];
	v8 =	vperm.xlane.i2c.b16 v14;
	[tilespmem:s26+$0xC30 ss:$0x41] =	vst.msk $0xffff, v15  }
.LBB1_3:
0x54: {  	p1 =	sne.s32 s27, $0xFC;
	v11 =	vld [tilespmem:s24+$0xFFFFFFE0];
	v12 =	vcombine.low v6, v7;
	v3 =	vperm.xlane.i2c.b16 v3;
	[tilespmem:s26+$0x1C70 ss:$0x41] =	vst.msk $0xffff, v9  }
0x55: {  	v13 =	vperm.xlane.i2c.b16 v4;
	v4 =	vcombine.high v6, v7;
	v9 =	vld [tilespmem:s24+$0xFFFFFFF0];
	[tilespmem:s23+$0x1040 ss:$0x41] =	vst.msk $0xffff, v10;
	s23 =	smov.u32 s26  }
0x56: {  	v10 =	vld [tilespmem:s24+$0x0];
	[tilespmem:s23+$0x410 ss:$0x41] =	vst.msk $0xffff, v12;
	v6 =	vcombine.low v8, v3;
	v7 =	vcombine.high v8, v3  }
.Ltmp3:
0x57: {  	v8 =	vperm.xlane.i2c.b16 v5;
	v12 =	vperm.xlane.i2c.b16 v1;
	v3 =	vld [tilespmem:s24+$0x10];
	[tilespmem:s23+$0x1450 ss:$0x41] =	vst.msk $0xffff, v4;
	(pc) =	sbr.rel @p1 .LBB1_3-.Ltmp3, $4  }
0x58: {  	v14 =	vperm.xlane.i2c.b16 v2;
	v2 =	vcombine.low v13, v0;
	v4 =	vld [tilespmem:s24+$0xFFFFFFC0];
	s24 =	sadd.s32 $0x80, s24;
	[tilespmem:s23+$0x820 ss:$0x41] =	vst.msk $0xffff, v6  }
0x59: {  	s26 =	sshra.s32 s25, $0x2;
	s25 =	smov.u32 s27;
	v1 =	vld [tilespmem:s24+$0x20];
	v6 =	vperm.xlane.i2c.b16 v11;
	v11 =	vcombine.low v12, v8;
	[tilespmem:s23+$0x1860 ss:$0x41] =	vst.msk $0xffff, v7  }
0x5a: {  	s26 =	sadd.s32 s26, s22;
	v5 =	vld [tilespmem:s24+$0x30];
	v7 =	vperm.xlane.i2c.b16 v9;
	v9 =	vcombine.high v12, v8;
	[tilespmem:s23+$0x0 ss:$0x41] =	vst.msk $0xffff, v2  }
0x5b: {  	s27 =	sadd.s32 $0x4, s27;
	v2 =	vld [tilespmem:s24+$0xFFFFFFD0];
	v8 =	vperm.xlane.i2c.b16 v10;
	[tilespmem:s26+$0xC30 ss:$0x41] =	vst.msk $0xffff, v11;
	v10 =	vcombine.high v13, v0;
	v0 =	vmov v14  }
.Ltmp4:
0x5c: {  	_ = 	snop;
	(pc) =	sbr.rel .LBB1_4-.Ltmp4, $1  }
0x5d: {  	_ =	sdelay $0x3  }
.LBB1_6:
0x5e: {  	_ =	sfence.sel $0x180000  }
0x5f: {  	s2 =	simm.s32 $0x1;
	[bflag:$0x0] =	sbarrier.arrive $0xFFFF  }
0x60: {  	s31 =	simm.s32 $0x2;
	[sflag:s2] =	ssyncpa.u1 $0x1  }
0x61: {  	[sflag:s31] =	ssyncpa.u1 $0x1  }
0x62: {  	p0 =	sne.s32 s1, $0x0;
	_ =	strace $0x90000047  }
0x63: {  	s0 =	sadd.s32 @!p0 $0x100000, s0;
	[bflag:$0x2] =	sbarrier.arrive $0xFFFF  }
0x64: {  	[sflag:s0] =	ssyncadd.tile.s32 @!p0 $0x1;
	_ =	shalt  }
.Lfunc_end1:
_tile_overlayer_lowered:
.L_overlay_start_2:
0x65: {  	(tag) =	ssettag $0x2  }
0x66: {  	s0 =	rddreg [dreg:$0x0];
	s2 =	stileid.u32  }
0x67: {  	s1 =	rddreg [dreg:$0x1];
	p0 =	sne.s32 s2, $0x0  }
0x68: {  	s3 =	rddreg [dreg:$0x2];
	[bflag:$0x3] =	sbarrier.arrive $0xFFFF;
	s2 =	simm.s32 @!p0 $0x1C01  }
0x69: {  	[timem:s3], [sflag:s2] =	dma.local @!p0 [hbm:s0], s1  }
0x6a: {  	s0 =	simm.s32 @!p0 $0x1  }
0x6b: {  	_ =	swait.ge @!p0 [sflag:s0], s1  }
0x6c: {  	s1 =	ssub.s32 @!p0 $0x0, s1;
	[sflag:s0] =	ssyncset.done @!p0 $0x0  }
0x6d: {  	[sflag:s0] =	ssyncadd.s32 @!p0 s1  }
0x6e: {  	[bflag:$0x3] =	sbarrier.arrive $0xFFFF  }
0x6f: {  	_ =	shalt  }

// kernel: sparse-core-data-format-call.cloned.1.call-start
scs
called_computation_lowered:
.L_overlay_start_0:
0x0: {  	s1 =	sld [smem:$0x3FD9]  }
0x1: {  	s2 =	sld [smem:$0x3FFE];
	_ =	sdelay $0x1  }
0x2: {  	s3 =	srdreg.scid  }
0x3: {  	s0 =	sand.u32 $0x1, s3  }
0x4: {  	s17 =	sshll.u32 s0, $0xA;
	s1 =	sadd.s32 s2, s1  }
0x5: {  	s1 =	sadd.s32 s1, s17  }
0x6: {  	[smem:$0x3FB9] =	sst s1  }
0x7: {  	_ = 	snop  }
0x8: {  	(tm) =	ssettm $0x1  }
0x9: {  	s18 =	sld [smem:$0x3FFB];
	_ =	sdelay $0x3  }
0xa: {  	_ =	strace s18  }
0xb: {  	s1 =	sld [smem:$0x3FFC];
	_ =	sdelay $0x3  }
0xc: {  	_ =	strace s1  }
0xd: {  	s1 =	sld [smem:$0x3FFD];
	_ =	sdelay $0x3  }
0xe: {  	_ =	strace s1  }
0xf: {  	_ =	strace $0x8FFFFFFF  }
0x10: {  	s19 =	sld [smem:$0x3FDB];
	_ =	sdelay $0x1  }
0x11: {  	s20 =	simm.s32 $_scs_section_size  }
0x12: {  	s4 =	simm.s32 $_size__tile_overlayer_lowered;
	s5 =	simm.s32 $_tile_overlayer_lowered  }
0x13: {  	s23 =	simm.s32 $0x1BFF;
	s22 =	sshll.u32 s5, $0x1;
	s1 =	sadd.s32 s20, s19  }
0x14: {  	s6 =	simm.s32 $0x0;
	s21 =	sshll.u32 s4, $0x1;
	s4 =	sadd.s32 s22, s1  }
0x15: {  	[timem:s6], [sflag:s23] =	dma.local [hbm:s4], s21  }
0x16: {  	_ =	swait.ge [sflag:s23], s21  }
0x17: {  	s2 =	ssub.s32 $0x0, s21;
	[sflag:s23] =	ssyncset.done $0x0  }
0x18: {  	[sflag:s23] =	ssyncadd.s32 s2;
	_ =	sdelay $0x1  }
0x19: {  	s24 =	simm.s32 $0x1B8B  }
0x1a: {  	_ =	swait.ge [sflag:s24], $0x1  }
0x1b: {  	[sflag:s24] =	ssyncset.done $0x0  }
0x1c: {  	s26 =	simm.s32 $0x1B8E;
	s25 =	sld [smem:$0x3FFE];
	[sflag:s24] =	ssyncadd.s32 $0xFFFFFFFF  }
0x1d: {  	s27 =	simm.s32 $execute0_lowered;
	[smem:$0x3FD2] =	sst s26  }
0x1e: {  	s4 =	sshll.u32 s27, $0x1;
	_ =	strace $0x80000049;
	[dreg:$0x1] =	wrdreg $0xFFFFFFFF  }
0x1f: {  	s28 =	simm.s32 $_size_execute0_lowered;
	s1 =	sadd.s32 s1, s4;
	[dreg:$0x0] =	wrdreg $0x0  }
0x20: {  	s4 =	sshll.u32 s28, $0x1;
	[dreg:$0x2] =	wrdreg s1  }
0x21: {  	[dreg:$0x3] =	wrdreg s4  }
0x22: {  	[dreg:$0x4] =	wrdreg $0xC0  }
0x23: {  	_ =	task [dreg:s6], $0x5FFFF  }
0x24: {  	[dreg:$0x1] =	wrdreg $0xFFFFFFFF  }
0x25: {  	[dreg:$0x0] =	wrdreg $0x60  }
0x26: {  	[dreg:$0x2] =	wrdreg s25  }
0x27: {  	[dreg:$0x3] =	wrdreg $0x9  }
0x28: {  	_ =	task.clear_ibuf [dreg:s6], $0x4FFFF;
	_ =	strace $0x90000049  }
0x29: {  	s29 =	simm.s32 $0x9;
	_ =	strace $0x8000004B  }
0x2a: {  	_ =	swait.ge [sflag:s29], $0x1  }
0x2b: {  	[sflag:s29] =	ssyncadd.s32 $0xFFFFFFFF  }
0x2c: {  	_ =	strace $0x9000004B  }
0x2d: {  	_ =	sfence  }
0x2e: {  	s30 =	sld [smem:$0x0];
	_ =	sdelay $0x2  }
0x2f: {  	s31 =	sshll.u32 s3, $0xD;
	s3 =	sshrl.u32 s3, $0x2  }
0x30: {  	s2 =	sand.u32 $0x4000, s31;
	s1 =	sadd.s32 s3, s30  }
0x31: {  	s0 =	sor.u32 s2, s0;
	s1 =	sshll.u32 s1, $0x11  }
0x32: {  	s0 =	sor.u32 s1, s0  }
0x33: {  	s0 =	sadd.s32 $0x8F2B, s0  }
0x34: {  	[sflag:s0] =	ssyncadd.remote.s32 $0x1  }
0x35: {  	_ =	sfence.sel $0xFFFF  }
0x36: {  	[dreg:$0x0] =	wrdreg $0xFFFFFFFF;
	(pc) =	sbr.abs _section_cstart, $3  }
0x37: {  	[dreg:$0x1] =	wrdreg $0xFFFFFFFF  }
0x38: {  	_ =	task.clear_ibuf [dreg:s6], $0x2FFFF;
	_ =	strace $0x9FFFFFFF  }
0x39: {  	(tm) =	ssettm $0x7FFFFFFF  }
tec
execute0_lowered:
.L_overlay_start_1:
0x0: {  	(tag) =	ssettag $0x1  }
0x1: {  	s0 =	srdreg.scid;
	s6 =	rddreg [dreg:$0x0]  }
0x2: {  	s7 =	simm.s32 $0x2;
	s19 =	simm.s32 $0x0;
	s1 =	sshll.u32 s0, $0x4  }
0x3: {  	s8 =	simm.s32 $0x40;
	s0 =	stileid.u32;
	s1 =	sand.u32 $0x10, s1  }
0x4: {  	s9 =	simm.s32 $0x7F800;
	s10 =	simm.s32 $0xE00;
	s1 =	sor.u32 s0, s1  }
0x5: {  	s11 =	simm.s32 $0x0;
	s18 =	simm.s32 $0x0;
	s2 =	sshll.u32 s1, $0x1  }
0x6: {  	s20 =	simm.s32 $0x0;
	s22 =	simm.s32 $0x0;
	s3 =	ssub.s32 $0x33, s2  }
0x7: {  	s21 =	simm.s32 $0x0;
	s13 =	simm.s32 $0x0;
	p0 =	sgt.s32 s3, $0x0  }
0x8: {  	s14 =	simm.s32 $0x0;
	s15 =	simm.s32 $0x0;
	s3 =	simm.s32 @!p0 $0x0  }
.Ltmp0:
0x9: {  	s17 =	simm.s32 $0x0;
	s4 =	sadd.s32 $0x3F, s3;
	(pc) =	sbr.rel .LBB1_1-.Ltmp0, $4  }
0xa: {  	s12 =	simm.s32 $0x0;
	s1 =	rddreg [dreg:$0x1];
	s4 =	sshrl.u32 s4, $0x6  }
0xb: {  	_ =	strace $0x8000004A;
	s3 =	simm.s32 $0x1;
	s4 =	smul.u32 $0x1DE2, s4  }
0xc: {  	s5 =	sadd.s32 $0x8FD800, s6;
	s6 =	sadd.s32 $0x3800, s6;
	[sflag:s3] =	ssyncpa.u1 $0x0  }
0xd: {  	s16 =	smov.u32 s2;
	[sflag:s7] =	ssyncpa.u1 $0x0;
	s7 =	sor.u32 $0x1, s4  }
.LBB1_5:
0xe: {  	s23 =	sadd.s32 $0x2, s13  }
0xf: {  	s18 =	simm.s32 $0x1;
	p0 =	sgt.s32 s23, $0x9  }
0x10: {  	s18 =	simm.s32 @!p0 $0x0  }
0x11: {  	s24 =	sadd.s32 s18, s14  }
0x12: {  	s18 =	simm.s32 $0x1;
	p1 =	sgt.s32 s24, $0x32  }
0x13: {  	s18 =	simm.s32 @!p1 $0x0  }
0x14: {  	s25 =	sadd.s32 s18, s15  }
0x15: {  	s26 =	smov.u32 s16;
	s18 =	sadd.s32 $0x40, s16;
	p2 =	sgt.s32 s25, $0x9  }
0x16: {  	s26 =	smov.u32 @p2 s18  }
0x17: {  	s18 =	simm.s32 $0x1;
	p3 =	sgt.s32 s26, $0x32  }
0x18: {  	s19 =	smov.u32 s13;
	s20 =	smov.u32 s15;
	s18 =	simm.s32 @!p3 $0x0  }
0x19: {  	s22 =	smov.u32 s16;
	s23 =	simm.s32 @p0 $0x0;
	s28 =	sadd.s32 s18, s17  }
0x1a: {  	p0 =	slt.u32 s12, $0x2;
	s24 =	simm.s32 @p1 $0x0;
	p1 =	sgt.s32 s28, $0x2  }
0x1b: {  	s27 =	simm.s32 @!p0 $0x2;
	s28 =	simm.s32 @p1 $0x0;
	p1 =	sne.s32 s12, s7  }
.Ltmp1:
0x1c: {  	s21 =	smov.u32 s17;
	_ =	swait.ge @!p0 [sflag:s27], $0x80;
	(pc) =	sbr.rel @!p1 .LBB1_6-.Ltmp1, $4  }
0x1d: {  	s11 =	sadd.s32 $0x100, s11;
	[sflag:s27] =	ssyncset.done @!p0 $0x0;
	s25 =	simm.s32 @p2 $0x0  }
0x1e: {  	s13 =	smov.u32 s23;
	[sflag:s27] =	ssyncadd.s32 @!p0 $0xFFFFFF80;
	s15 =	smov.u32 s25  }
0x1f: {  	s26 =	smov.u32 @p3 s2;
	s18 =	smov.u32 s14;
	s14 =	smov.u32 s24  }
0x20: {  	s16 =	smov.u32 s26;
	s12 =	sadd.s32 $0x1, s12;
	s17 =	smov.u32 s28  }
.LBB1_1:
0x21: {  	p0 =	sge.u32 s12, s4  }
.Ltmp2:
0x22: {  	_ = 	snop;
	(pc) =	sbr.rel @p0 .LBB1_3-.Ltmp2, $1  }
0x23: {  	_ =	sdelay $0x3  }
0x24: {  	p0 =	sgt.s32 s17, $0x2  }
0x25: {  	s23 =	smov.u32 s17;
	s24 =	sshra.s32 s17, $0x1F;
	s25 =	sshra.s32 s16, $0x1F  }
0x26: {  	s26 =	sshra.s32 s15, $0x1F;
	s28 =	sshra.s32 s14, $0x1F;
	s30 =	sshra.s32 s13, $0x1F  }
0x27: {  	s23 =	simm.s32 @!p0 $0x2;
	s24 =	sand.u32 s24, s17;
	p0 =	sgt.s32 s16, $0x31  }
0x28: {  	s25 =	sand.u32 s25, s16;
	s26 =	sand.u32 s26, s15;
	s28 =	sand.u32 s28, s14  }
0x29: {  	s31 =	sand.u32 s30, s13;
	s23 =	ssub.s32 s23, s24;
	s24 =	smov.u32 s16  }
0x2a: {  	s23 =	sadd.s32 $0xFFFFFFFE, s23;
	s24 =	simm.s32 @!p0 $0x31;
	p0 =	sgt.s32 s15, $0x9  }
0x2b: {  	s24 =	ssub.s32 s24, s25;
	s25 =	smov.u32 s15;
	p1 =	sgt.s32 s23, $0x0  }
0x2c: {  	s23 =	sshll.u32 s23, $0x5;
	s27 =	sadd.s32 $0xFFFFFFCF, s24;
	s25 =	simm.s32 @!p0 $0x9  }
0x2d: {  	s24 =	ssub.s32 $0x33, s24;
	s23 =	ssub.s32 $0x20, s23;
	p0 =	sgt.s32 s27, $0x1  }
0x2e: {  	s25 =	ssub.s32 s25, s26;
	s27 =	smov.u32 s14;
	s23 =	simm.s32 @p1 $0x0  }
0x2f: {  	p1 =	sgt.s32 s13, $0xE;
	s24 =	simm.s32 @p0 $0x0;
	p0 =	sgt.s32 s14, $0x32  }
0x30: {  	s26 =	sadd.s32 $0xFFFFFFF7, s25;
	s25 =	ssub.s32 $0xA, s25;
	s27 =	simm.s32 @!p0 $0x32  }
0x31: {  	p0 =	sgt.s32 s26, $0x0;
	s23 =	smul.u32 s24, s23;
	s26 =	smov.u32 s13  }
0x32: {  	s29 =	ssub.s32 s27, s28;
	s25 =	simm.s32 @p0 $0x0;
	s28 =	smul.u32 $0x32CD00, s17  }
0x33: {  	s26 =	simm.s32 @!p1 $0xE;
	s27 =	sadd.s32 $0xFFFFFFCE, s29;
	s23 =	smul.u32 s25, s23  }
0x34: {  	s24 =	ssub.s32 $0x33, s29;
	s25 =	ssub.s32 s26, s31;
	s29 =	smul.u32 $0xFF00, s16  }
0x35: {  	s31 =	sshll.u32 s14, $0x7;
	p0 =	sgt.s32 s27, $0x0;
	s27 =	sadd.s32 $0xFFFFFFF2, s25  }
0x36: {  	s24 =	simm.s32 @p0 $0x0;
	p0 =	sgt.s32 s27, $0x1;
	s27 =	smul.u32 $0x1980, s15  }
0x37: {  	s26 =	sadd.s32 s5, s28;
	s23 =	smul.u32 s24, s23;
	s24 =	ssub.s32 $0x10, s25  }
0x38: {  	s28 =	sxor.u32 $0xFFFFFFFF, s11;
	s30 =	sadd.s32 s29, s26;
	s24 =	simm.s32 @p0 $0x0  }
0x39: {  	s29 =	sshll.u32 s13, $0x3;
	s23 =	smul.u32 s24, s23;
	s24 =	sadd.s32 s27, s30  }
0x3a: {  	s26 =	sand.u32 $0x70, s29;
	s30 =	sand.u32 $0x100, s28;
	s24 =	sadd.s32 s31, s24  }
0x3b: {  	s31 =	sshrl.u32 s30, $0x1;
	s23 =	sand.u32 $0x3FFFFFE0, s23;
	s24 =	sadd.s32 s26, s24  }
0x3c: {  	[tilespmem:s31], [sflag:$0x1] =	stream.strided.gather [hbm4b:s24+s8], s23, s9, s8, $0x38;
	[tilespmem:$0x200] =	vst v63  }
.LBB1_3:
0x3d: {  	s23 =	sadd.s32 $0xFFFFFFFF, s12  }
0x3e: {  	p0 =	sge.u32 s23, s4  }
.Ltmp3:
0x3f: {  	_ = 	snop;
	(pc) =	sbr.rel @p0 .LBB1_5-.Ltmp3, $1  }
0x40: {  	_ =	sdelay $0x3  }
0x41: {  	p0 =	sgt.s32 s21, $0x2;
	s23 =	smov.u32 s21;
	s24 =	sshra.s32 s21, $0x1F  }
0x42: {  	s25 =	sshra.s32 s22, $0x1F;
	p1 =	sgt.s32 s20, $0x9;
	s27 =	sshra.s32 s20, $0x1F  }
0x43: {  	s23 =	simm.s32 @!p0 $0x2;
	s24 =	sand.u32 s24, s21;
	p0 =	sgt.s32 s22, $0x31  }
0x44: {  	s25 =	sand.u32 s25, s22;
	s23 =	ssub.s32 s23, s24;
	s24 =	smov.u32 s22  }
0x45: {  	s28 =	sand.u32 s27, s20;
	s23 =	sadd.s32 $0xFFFFFFFE, s23;
	s24 =	simm.s32 @!p0 $0x31  }
0x46: {  	p0 =	sgt.s32 s23, $0x0;
	s24 =	ssub.s32 s24, s25;
	s25 =	smov.u32 s20  }
0x47: {  	s23 =	sshll.u32 s23, $0x5;
	s26 =	sadd.s32 $0xFFFFFFCF, s24;
	s25 =	simm.s32 @!p1 $0x9  }
0x48: {  	s24 =	ssub.s32 $0x33, s24;
	s23 =	ssub.s32 $0x20, s23;
	p1 =	sgt.s32 s26, $0x1  }
0x49: {  	s25 =	ssub.s32 s25, s28;
	s26 =	smov.u32 s18;
	s28 =	sshra.s32 s18, $0x1F  }
0x4a: {  	s23 =	simm.s32 @p0 $0x0;
	p0 =	sgt.s32 s19, $0xE;
	s24 =	simm.s32 @p1 $0x0  }
0x4b: {  	p1 =	sgt.s32 s18, $0x32;
	s29 =	sadd.s32 $0xFFFFFFF7, s25;
	s30 =	sand.u32 s28, s18  }
0x4c: {  	s25 =	ssub.s32 $0xA, s25;
	s28 =	smov.u32 s19;
	s26 =	simm.s32 @!p1 $0x32  }
0x4d: {  	p1 =	sgt.s32 s29, $0x0;
	s29 =	sshra.s32 s19, $0x1F;
	s23 =	smul.u32 s24, s23  }
0x4e: {  	s28 =	simm.s32 @!p0 $0xE;
	s26 =	ssub.s32 s26, s30;
	s25 =	simm.s32 @p1 $0x0  }
0x4f: {  	s31 =	sand.u32 s29, s19;
	s27 =	sadd.s32 $0xFFFFFFCE, s26;
	s26 =	ssub.s32 $0x33, s26  }
0x50: {  	s24 =	ssub.s32 s28, s31;
	s23 =	smul.u32 s25, s23;
	p1 =	sgt.s32 s27, $0x0  }
0x51: {  	s27 =	sadd.s32 $0xFFFFFFF2, s24;
	s26 =	simm.s32 @p1 $0x0  }
0x52: {  	s24 =	ssub.s32 $0x10, s24;
	p0 =	sgt.s32 s27, $0x1;
	s23 =	smul.u32 s26, s23  }
0x53: {  	s24 =	simm.s32 @p0 $0x0  }
0x54: {  	s23 =	smul.u32 s24, s23;
	_ =	sdelay $0x1  }
0x55: {  	s23 =	sand.u32 $0x3FFFFFE0, s23  }
0x56: {  	_ =	swait.ge [sflag:s3], s23  }
0x57: {  	s28 =	sshrl.u32 s11, $0x1;
	s23 =	ssub.s32 $0x0, s23;
	[sflag:s3] =	ssyncset.done $0x0  }
0x58: {  	[sflag:s3] =	ssyncadd.s32 s23;
	s23 =	sand.u32 $0x80, s28  }
0x59: {  	v0 =	vld [tilespmem:s23+$0x0]  }
0x5a: {  	v1 =	vld [tilespmem:s23+$0x40]  }
0x5b: {  	v2 =	vld [tilespmem:s23+$0x10]  }
0x5c: {  	s29 =	sshll.u32 s22, $0x7;
	s30 =	sshll.u32 s18, $0x3;
	v3 =	vld [tilespmem:s23+$0x50]  }
0x5d: {  	s31 =	sand.u32 $0xFFFFFC00, s29;
	s24 =	sand.u32 $0xFFFFFC00, s30;
	v4 =	vld [tilespmem:s23+$0x20]  }
0x5e: {  	s22 =	sand.u32 $0x300, s29;
	s26 =	sshll.u32 s18, $0x1;
	s24 =	sadd.s32 s31, s24;
	v5 =	vld [tilespmem:s23+$0x60]  }
0x5f: {  	s27 =	sand.u32 $0x80, s26;
	s22 =	sor.u32 s22, s24  }
0x60: {  	s22 =	sor.u32 s27, s22  }
0x61: {  	s21 =	smul.u32 $0x2BC000, s21;
	s22 =	sshrl.u32 s22, $0x7;
	v8 =	vld [tilespmem:s23+$0x30];
	v6 =	vunpack.i.l.s16.s32 v0;
	v7 =	vunpack.i.l.s16.s32 v1  }
0x62: {  	s28 =	smulhi.u32 $0x4924925, s22;
	s25 =	sor.u32 $0x100, s23;
	v47 =	vld [tilespmem:s23+$0x70];
	v48 =	vunpack.i.l.s16.s32 v2;
	v49 =	vunpack.i.l.s16.s32 v3;
	v6 =	vpack.i.b32.b16 v7, v6  }
0x63: {  	s21 =	sadd.s32 s6, s21;
	s26 =	sshrl.u32 s18, $0x3;
	s30 =	sor.u32 $0x110, s23;
	v54 =	vunpack.i.l.s16.s32 v4;
	v55 =	vunpack.i.l.s16.s32 v5;
	v50 =	vpack.i.b32.b16 v49, v48;
	[tilespmem:s25+$0x0 ss:$0x1] =	vst.msk $0xffff, v6  }
0x64: {  	s29 =	sor.u32 $0x140, s23;
	s24 =	smul.u32 $0x38, s28;
	s28 =	sor.u32 $0x120, s23;
	v51 =	vunpack.i.u.s16.s32 v2;
	v52 =	vunpack.i.u.s16.s32 v3;
	v56 =	vpack.i.b32.b16 v55, v54;
	[tilespmem:s30+$0x0 ss:$0x1] =	vst.msk $0xffff, v50  }
0x65: {  	s31 =	sor.u32 $0x150, s23;
	s27 =	sor.u32 $0x160, s23;
	v0 =	vunpack.i.u.s16.s32 v0;
	v1 =	vunpack.i.u.s16.s32 v1;
	v53 =	vpack.i.b32.b16 v52, v51;
	s30 =	smul.u32 $0x46000, s20;
	[tilespmem:s28+$0x0 ss:$0x1] =	vst.msk $0xffff, v56  }
0x66: {  	s22 =	ssub.s32 s22, s24;
	v57 =	vunpack.i.u.s16.s32 v4;
	v58 =	vunpack.i.u.s16.s32 v5;
	v0 =	vpack.i.b32.b16 v1, v0;
	s28 =	sand.u32 $0x7, s26;
	[tilespmem:s31+$0x0 ss:$0x1] =	vst.msk $0xffff, v53;
	s31 =	smul.u32 $0x7000, s19  }
.Ltmp4:
0x67: {  	v60 =	vunpack.i.l.s16.s32 v8;
	v61 =	vunpack.i.l.s16.s32 v47;
	v59 =	vpack.i.b32.b16 v58, v57;
	[tilespmem:s29+$0x0 ss:$0x1] =	vst.msk $0xffff, v0;
	s29 =	sor.u32 $0x130, s23;
	s20 =	sadd.s32 s30, s21;
	(pc) =	sbr.rel .LBB1_5-.Ltmp4, $4  }
0x68: {  	v62 =	vunpack.i.u.s16.s32 v8;
	v63 =	vunpack.i.u.s16.s32 v47;
	v1 =	vpack.i.b32.b16 v61, v60;
	s23 =	sor.u32 $0x170, s23;
	[tilespmem:s27+$0x0 ss:$0x1] =	vst.msk $0xffff, v59;
	s30 =	sand.u32 $0x7, s18;
	s19 =	sadd.s32 s31, s20  }
0x69: {  	v0 =	vpack.i.b32.b16 v63, v62;
	[tilespmem:s29+$0x0 ss:$0x1] =	vst.msk $0xffff, v1;
	s31 =	sshll.u32 s22, $0x3;
	s18 =	sshll.u32 s30, $0x12;
	s19 =	sadd.s32 s28, s19  }
0x6a: {  	[tilespmem:s23+$0x0 ss:$0x1] =	vst.msk $0xffff, v0;
	s18 =	sor.u32 $0x1, s18;
	s19 =	sadd.s32 s31, s19  }
0x6b: {  	[hbm4b:s19+s18] =	stream.strided.scatter [tilespmem:s25], [sflag:$0x2], $0x80, s10, s18, $0x38;
	[tilespmem:$0x200] =	vst v63  }
.LBB1_6:
0x6c: {  	_ =	sfence.sel $0x180000  }
0x6d: {  	s2 =	simm.s32 $0x1;
	[bflag:$0x0] =	sbarrier.arrive $0xFFFF  }
0x6e: {  	s31 =	simm.s32 $0x2;
	[sflag:s2] =	ssyncpa.u1 $0x1  }
0x6f: {  	[sflag:s31] =	ssyncpa.u1 $0x1  }
0x70: {  	p0 =	sne.s32 s0, $0x0;
	_ =	strace $0x9000004A  }
0x71: {  	s0 =	sadd.s32 @!p0 $0x100000, s1;
	[bflag:$0x2] =	sbarrier.arrive $0xFFFF  }
0x72: {  	[sflag:s0] =	ssyncadd.tile.s32 @!p0 $0x1;
	_ =	shalt  }
.Lfunc_end1:
_tile_overlayer_lowered:
.L_overlay_start_2:
0x73: {  	(tag) =	ssettag $0x2  }
0x74: {  	s0 =	rddreg [dreg:$0x0];
	s2 =	stileid.u32  }
0x75: {  	s1 =	rddreg [dreg:$0x1];
	p0 =	sne.s32 s2, $0x0  }
0x76: {  	s3 =	rddreg [dreg:$0x2];
	[bflag:$0x3] =	sbarrier.arrive $0xFFFF;
	s2 =	simm.s32 @!p0 $0x1C01  }
0x77: {  	[timem:s3], [sflag:s2] =	dma.local @!p0 [hbm:s0], s1  }
0x78: {  	s0 =	simm.s32 @!p0 $0x1  }
0x79: {  	_ =	swait.ge @!p0 [sflag:s0], s1  }
0x7a: {  	s1 =	ssub.s32 @!p0 $0x0, s1;
	[sflag:s0] =	ssyncset.done @!p0 $0x0  }
0x7b: {  	[sflag:s0] =	ssyncadd.s32 @!p0 s1  }
0x7c: {  	[bflag:$0x3] =	sbarrier.arrive $0xFFFF  }
0x7d: {  	_ =	shalt  }

</sc_bundles>
